<compile_context>
chip_gen: v7x
topology: tpu7x:2x2x1
jax: 0.10.2.dev20260603
libtpu: 0.0.44.dev20260713+nightly
codegen_flags: <defaults>
</compile_context>

<pallas_src>
import functools

import jax
import jax.numpy as jnp
from jax import lax
from jax.experimental import pallas as pl
from jax.experimental.pallas import tpu as pltpu
from jax.experimental.pallas import tpu_sc as plsc

NUM_TAGS = 128
B = 64
T = 1024
NS = 16
L = 16
ROWS_PER_TILE = B // NS
WORDS_PER_TILE = ROWS_PER_TILE * T
CHUNKS = T // L
NCHUNK = ROWS_PER_TILE * CHUNKS
TAIL = (T - 1) - (CHUNKS - 1) * L
TBL = NUM_TAGS * NUM_TAGS
DUMMY = TBL

_mesh = plsc.VectorSubcoreMesh(
    core_axis_name="c", subcore_axis_name="s", num_cores=1, num_subcores=NS)


@functools.partial(
    pl.kernel,
    mesh=_mesh,
    out_type=(
        jax.ShapeDtypeStruct((NS, L), jnp.float32),
        jax.ShapeDtypeStruct((L,), jnp.float32),
    ),
    scratch_types=[
        pltpu.VMEM((TBL + L,), jnp.float32),
        pltpu.VMEM((WORDS_PER_TILE + L,), jnp.int32),
        pltpu.VMEM((WORDS_PER_TILE,), jnp.int32),
        pltpu.VMEM((L,), jnp.float32),
        pltpu.VMEM((NS, L), jnp.float32),
        pltpu.SemaphoreType.DMA,
        pltpu.SemaphoreType.DMA,
    ],
    compiler_params=pltpu.CompilerParams(needs_layout_passes=False),
)
def _crf_sc(trans_hbm, tags_hbm, parts_hbm, out_hbm, table_v, tags_v, idx_v,
            stage_v, gbuf_v, sem_a, sem_b):
    w = lax.axis_index("s")
    cp_table = pltpu.async_copy(trans_hbm, table_v.at[pl.ds(0, TBL)], sem_a)
    cp_tags = pltpu.async_copy(
        tags_hbm.at[pl.ds(w * WORDS_PER_TILE, WORDS_PER_TILE)],
        tags_v.at[pl.ds(0, WORDS_PER_TILE)], sem_b)
    table_v[pl.ds(TBL, L)] = jnp.zeros((L,), jnp.float32)
    tags_v[pl.ds(WORDS_PER_TILE, L)] = jnp.zeros((L,), jnp.int32)
    lanes = lax.iota(jnp.int32, L)
    cp_tags.wait()

    def idx_chunk(k, _):
        off = k * L
        cur = tags_v[pl.ds(off, L)]
        nxt = tags_v[pl.ds(off + 1, L)]
        idx_v[pl.ds(off, L)] = cur * NUM_TAGS + nxt
        return 0

    @plsc.parallel_loop(0, NCHUNK, unroll=4)
    def _idx(k):
        idx_chunk(k, 0)
    for r in range(ROWS_PER_TILE):
        off = r * T + (CHUNKS - 1) * L
        v = idx_v[pl.ds(off, L)]
        idx_v[pl.ds(off, L)] = jnp.where(lanes < TAIL, v, DUMMY)
    cp_table.wait()

    def gather_chunk(k, a):
        return a + plsc.load_gather(table_v, [idx_v[pl.ds(k * L, L)]])

    @plsc.parallel_loop(0, NCHUNK, unroll=16, carry=jnp.zeros((L,), jnp.float32))
    def acc(k, a):
        return gather_chunk(k, a)

    stage_v[...] = acc
    pltpu.sync_copy(stage_v, parts_hbm.at[w])
    plsc.subcore_barrier()

    @pl.when(w == 0)
    def _finalize():
        pltpu.sync_copy(parts_hbm, gbuf_v)
        tot = gbuf_v[0, :]
        for i in range(1, NS):
            tot = tot + gbuf_v[i, :]
        stage_v[...] = plsc.cumsum(tot * (-1.0 / T))
        pltpu.sync_copy(stage_v, out_hbm)


def kernel(emissions, tags, transitions):
    del emissions
    tags_flat = tags.astype(jnp.int32).reshape(B * T)
    trans_flat = transitions.reshape(TBL)
    _, out = _crf_sc(trans_flat, tags_flat)
    return out[L - 1:L]

# --- scband reference (transcript-rebuilt; emitter-appended) ---
"""Pipeline reference for scband-chain-crf-85813446574717 (READ-ONLY COPY).

The authoritative reference and input builder live on the scoring server;
editing this copy changes nothing except your own understanding.
"""

import jax, jax.numpy as jnp
import numpy as np

NUM_TAGS = 128
B = 64
T = 1024

def setup_inputs(seed: int = 0) -> dict:
    key = jax.random.key(seed)
    k1, k2, k3 = jax.random.split(key, 3)
    emissions = jax.random.normal(k1, (B, T, NUM_TAGS), dtype=jnp.float32)
    tags = jax.random.randint(k2, (B, T), 0, NUM_TAGS, dtype=jnp.int64)
    transitions = jax.random.normal(k3, (NUM_TAGS, NUM_TAGS), dtype=jnp.float32)
    return {"emissions": emissions, "tags": tags, "transitions": transitions}

def reference(emissions, tags, transitions):
    # Faithful translation of ChainCRF.forward: sum transition scores over
    # consecutive tag pairs across the batch, negate, normalize by seq length.
    # mask defaults to all-ones and is unused in the original forward.
    cur_tags = tags[:, :-1]   # [B, T-1]
    next_tags = tags[:, 1:]   # [B, T-1]
    # gather transitions[cur, next] for every pair and sum (same math as the
    # python loop: sum_i transitions[tags[:,i], tags[:,i+1]].sum())
    pair_scores = transitions[cur_tags, next_tags]  # [B, T-1]
    score = jnp.sum(pair_scores)
    out = -score / tags.shape[1]
    return out.reshape(1)

if __name__ == "__main__":
    import jax
    _d = setup_inputs()
    print(jax.jit(kernel)(*tuple(_d.values())))

</pallas_src>

<mosaic_0001>
#map = affine_map<(d0, d1) -> (0)>
#map1 = affine_map<(d0, d1) -> (0, 0)>
module attributes {stable_mosaic.version = 14 : i64} {
  func.func @_crf_sc(%arg0: i32, %arg1: i32, %arg2: memref<16384xf32, #tpu.memory_space<hbm>>, %arg3: memref<65536xi32, #tpu.memory_space<hbm>>, %arg4: memref<16x16xf32, #tpu.memory_space<hbm>>, %arg5: memref<16xf32, #tpu.memory_space<hbm>>, %arg6: memref<16400xf32, #tpu.memory_space<vmem>>, %arg7: memref<4112xi32, #tpu.memory_space<vmem>>, %arg8: memref<4096xi32, #tpu.memory_space<vmem>>, %arg9: memref<16xf32, #tpu.memory_space<vmem>>, %arg10: memref<16x16xf32, #tpu.memory_space<vmem>>, %arg11: memref<!tpu.dma_semaphore, #tpu.memory_space<semaphore_mem>>, %arg12: memref<!tpu.dma_semaphore, #tpu.memory_space<semaphore_mem>>) attributes {dimension_semantics = [#tpu.dimension_semantics<core_parallel>, #tpu.dimension_semantics<subcore_parallel>], iteration_bounds = array<i64: 1, 16>, scalar_prefetch = 0 : i64, scratch_operands = 7 : i64, tpu.core_type = #tpu.core_type<sc_vector_subcore>, window_params = [{transform_indices = #map}, {transform_indices = #map}, {transform_indices = #map1}, {transform_indices = #map}]} {
    %dma_start3A = arith.constant 0 : i32
    %dma_start3A_0 = tpu.memref_slice %arg6[%dma_start3A] : memref<16400xf32, #tpu.memory_space<vmem>> -> memref<16384xf32, #tpu.memory_space<vmem>>
    %dma_start3A_1 = arith.constant 0 : i32
    %dma_start3A_2 = tpu.memref_slice %arg6[%dma_start3A_1] : memref<16400xf32, #tpu.memory_space<vmem>> -> memref<16384xf32, #tpu.memory_space<vmem>>
    tpu.enqueue_dma source(%arg2 : memref<16384xf32, #tpu.memory_space<hbm>>) target(%dma_start3A_2 : memref<16384xf32, #tpu.memory_space<vmem>>) target_semaphore(%arg11 : memref<!tpu.dma_semaphore, #tpu.memory_space<semaphore_mem>>)
    %mul3A = arith.constant 4096 : i32
    %mul3A_3 = arith.muli %arg1, %mul3A : i32
    %dma_start3A_4 = arith.constant 0 : i32
    %dma_start3A_5 = tpu.memref_slice %arg7[%dma_start3A_4] : memref<4112xi32, #tpu.memory_space<vmem>> -> memref<4096xi32, #tpu.memory_space<vmem>>
    %dma_start3A_6 = tpu.memref_slice %arg3[%mul3A_3] : memref<65536xi32, #tpu.memory_space<hbm>> -> memref<4096xi32, #tpu.memory_space<hbm>>
    %dma_start3A_7 = arith.constant 0 : i32
    %dma_start3A_8 = tpu.memref_slice %arg7[%dma_start3A_7] : memref<4112xi32, #tpu.memory_space<vmem>> -> memref<4096xi32, #tpu.memory_space<vmem>>
    %dma_start3A_9 = tpu.memref_slice %arg3[%mul3A_3] : memref<65536xi32, #tpu.memory_space<hbm>> -> memref<4096xi32, #tpu.memory_space<hbm>>
    tpu.enqueue_dma source(%dma_start3A_9 : memref<4096xi32, #tpu.memory_space<hbm>>) target(%dma_start3A_8 : memref<4096xi32, #tpu.memory_space<vmem>>) target_semaphore(%arg12 : memref<!tpu.dma_semaphore, #tpu.memory_space<semaphore_mem>>)
    %broadcast_in_dim3A = arith.constant 0.000000e+00 : f32
    %broadcast_in_dim3A_10 = vector.broadcast %broadcast_in_dim3A : f32 to vector<16xf32>
    %swap3A = arith.constant 16384 : index
    %swap3A_11 = tpu.vector_load %arg6[%swap3A] {strides = array<i32>} : memref<16400xf32, #tpu.memory_space<vmem>>, vector<16xf32>,
    tpu.vector_store %arg6[%swap3A], %broadcast_in_dim3A_10 {strides = array<i32>} : memref<16400xf32, #tpu.memory_space<vmem>>, vector<16xf32>,
    %broadcast_in_dim3A_12 = arith.constant 0 : i32
    %broadcast_in_dim3A_13 = vector.broadcast %broadcast_in_dim3A_12 : i32 to vector<16xi32>
    %swap3A_14 = arith.constant 4096 : index
    %swap3A_15 = tpu.vector_load %arg7[%swap3A_14] {strides = array<i32>} : memref<4112xi32, #tpu.memory_space<vmem>>, vector<16xi32>,
    tpu.vector_store %arg7[%swap3A_14], %broadcast_in_dim3A_13 {strides = array<i32>} : memref<4112xi32, #tpu.memory_space<vmem>>, vector<16xi32>,
    %iota3A = tpu.iota {dimensions = array<i32: 0>} : vector<16xi32>
    %dma_wait3A = arith.constant 0 : i32
    %dma_wait3A_16 = tpu.memref_slice %arg7[%dma_wait3A] : memref<4112xi32, #tpu.memory_space<vmem>> -> memref<4096xi32, #tpu.memory_space<vmem>>
    %dma_wait3A_17 = tpu.memref_slice %arg3[%mul3A_3] : memref<65536xi32, #tpu.memory_space<hbm>> -> memref<4096xi32, #tpu.memory_space<hbm>>
    %dma_wait3A_18 = arith.constant 0 : i32
    %dma_wait3A_19 = tpu.memref_slice %arg7[%dma_wait3A_18] : memref<4112xi32, #tpu.memory_space<vmem>> -> memref<4096xi32, #tpu.memory_space<vmem>>
    %dma_wait3A_20 = tpu.memref_slice %arg3[%mul3A_3] : memref<65536xi32, #tpu.memory_space<hbm>> -> memref<4096xi32, #tpu.memory_space<hbm>>
    tpu.wait_dma2 semaphore(%arg12 : memref<!tpu.dma_semaphore, #tpu.memory_space<semaphore_mem>>) src(%dma_wait3A_20 : memref<4096xi32, #tpu.memory_space<hbm>>) dst(%dma_wait3A_19 : memref<4096xi32, #tpu.memory_space<vmem>>)
    %parallel_loop3A = arith.constant 0 : i32
    %parallel_loop3A_21 = arith.constant 256 : i32
    %parallel_loop3A_22 = arith.constant 1 : i32
    scf.for %parallel_loop3A_73 = %parallel_loop3A to %parallel_loop3A_21 step %parallel_loop3A_22  : i32 {
      %parallel_loop3A_74 = arith.constant 16 : i32
      %parallel_loop3A_75 = arith.muli %parallel_loop3A_73, %parallel_loop3A_74 : i32
      %parallel_loop3A_76 = arith.index_cast %parallel_loop3A_75 : i32 to index
      %parallel_loop3A_77 = tpu.vector_load %arg7[%parallel_loop3A_76] {strides = array<i32>} : memref<4112xi32, #tpu.memory_space<vmem>>, vector<16xi32>,
      %parallel_loop3A_78 = arith.constant 1 : i32
      %parallel_loop3A_79 = arith.addi %parallel_loop3A_75, %parallel_loop3A_78 : i32
      %parallel_loop3A_80 = arith.index_cast %parallel_loop3A_79 : i32 to index
      %parallel_loop3A_81 = tpu.vector_load %arg7[%parallel_loop3A_80] {strides = array<i32>} : memref<4112xi32, #tpu.memory_space<vmem>>, vector<16xi32>,
      %parallel_loop3A_82 = arith.constant 128 : i32
      %parallel_loop3A_83 = vector.broadcast %parallel_loop3A_82 : i32 to vector<16xi32>
      %parallel_loop3A_84 = arith.muli %parallel_loop3A_77, %parallel_loop3A_83 : vector<16xi32>
      %parallel_loop3A_85 = arith.addi %parallel_loop3A_84, %parallel_loop3A_81 : vector<16xi32>
      %parallel_loop3A_86 = arith.index_cast %parallel_loop3A_75 : i32 to index
      %parallel_loop3A_87 = tpu.vector_load %arg8[%parallel_loop3A_86] {strides = array<i32>} : memref<4096xi32, #tpu.memory_space<vmem>>, vector<16xi32>,
      tpu.vector_store %arg8[%parallel_loop3A_86], %parallel_loop3A_85 {strides = array<i32>} : memref<4096xi32, #tpu.memory_space<vmem>>, vector<16xi32>,
    } {sc.loop_unroll_factor = 4 : i64, sc.parallel_access}
    %get3A = arith.constant 1008 : index
    %get3A_23 = tpu.vector_load %arg8[%get3A] {strides = array<i32>} : memref<4096xi32, #tpu.memory_space<vmem>>, vector<16xi32>,
    %lt3A = arith.constant 15 : i32
    %lt3A_24 = vector.broadcast %lt3A : i32 to vector<16xi32>
    %lt3A_25 = arith.cmpi slt, %iota3A, %lt3A_24 : vector<16xi32>
    %jit3A = arith.constant 16384 : i32
    %broadcast_in_dim3A_26 = vector.broadcast %jit3A : i32 to vector<16xi32>
    %select_n3A = arith.select %lt3A_25, %get3A_23, %broadcast_in_dim3A_26 : vector<16xi1>, vector<16xi32>
    %swap3A_27 = arith.constant 1008 : index
    %swap3A_28 = tpu.vector_load %arg8[%swap3A_27] {strides = array<i32>} : memref<4096xi32, #tpu.memory_space<vmem>>, vector<16xi32>,
    tpu.vector_store %arg8[%swap3A_27], %select_n3A {strides = array<i32>} : memref<4096xi32, #tpu.memory_space<vmem>>, vector<16xi32>,
    %get3A_29 = arith.constant 2032 : index
    %get3A_30 = tpu.vector_load %arg8[%get3A_29] {strides = array<i32>} : memref<4096xi32, #tpu.memory_space<vmem>>, vector<16xi32>,
    %lt3A_31 = arith.constant 15 : i32
    %lt3A_32 = vector.broadcast %lt3A_31 : i32 to vector<16xi32>
    %lt3A_33 = arith.cmpi slt, %iota3A, %lt3A_32 : vector<16xi32>
    %jit3A_34 = arith.constant 16384 : i32
    %broadcast_in_dim3A_35 = vector.broadcast %jit3A_34 : i32 to vector<16xi32>
    %select_n3A_36 = arith.select %lt3A_33, %get3A_30, %broadcast_in_dim3A_35 : vector<16xi1>, vector<16xi32>
    %swap3A_37 = arith.constant 2032 : index
    %swap3A_38 = tpu.vector_load %arg8[%swap3A_37] {strides = array<i32>} : memref<4096xi32, #tpu.memory_space<vmem>>, vector<16xi32>,
    tpu.vector_store %arg8[%swap3A_37], %select_n3A_36 {strides = array<i32>} : memref<4096xi32, #tpu.memory_space<vmem>>, vector<16xi32>,
    %get3A_39 = arith.constant 3056 : index
    %get3A_40 = tpu.vector_load %arg8[%get3A_39] {strides = array<i32>} : memref<4096xi32, #tpu.memory_space<vmem>>, vector<16xi32>,
    %lt3A_41 = arith.constant 15 : i32
    %lt3A_42 = vector.broadcast %lt3A_41 : i32 to vector<16xi32>
    %lt3A_43 = arith.cmpi slt, %iota3A, %lt3A_42 : vector<16xi32>
    %jit3A_44 = arith.constant 16384 : i32
    %broadcast_in_dim3A_45 = vector.broadcast %jit3A_44 : i32 to vector<16xi32>
    %select_n3A_46 = arith.select %lt3A_43, %get3A_40, %broadcast_in_dim3A_45 : vector<16xi1>, vector<16xi32>
    %swap3A_47 = arith.constant 3056 : index
    %swap3A_48 = tpu.vector_load %arg8[%swap3A_47] {strides = array<i32>} : memref<4096xi32, #tpu.memory_space<vmem>>, vector<16xi32>,
    tpu.vector_store %arg8[%swap3A_47], %select_n3A_46 {strides = array<i32>} : memref<4096xi32, #tpu.memory_space<vmem>>, vector<16xi32>,
    %get3A_49 = arith.constant 4080 : index
    %get3A_50 = tpu.vector_load %arg8[%get3A_49] {strides = array<i32>} : memref<4096xi32, #tpu.memory_space<vmem>>, vector<16xi32>,
    %lt3A_51 = arith.constant 15 : i32
    %lt3A_52 = vector.broadcast %lt3A_51 : i32 to vector<16xi32>
    %lt3A_53 = arith.cmpi slt, %iota3A, %lt3A_52 : vector<16xi32>
    %jit3A_54 = arith.constant 16384 : i32
    %broadcast_in_dim3A_55 = vector.broadcast %jit3A_54 : i32 to vector<16xi32>
    %select_n3A_56 = arith.select %lt3A_53, %get3A_50, %broadcast_in_dim3A_55 : vector<16xi1>, vector<16xi32>
    %swap3A_57 = arith.constant 4080 : index
    %swap3A_58 = tpu.vector_load %arg8[%swap3A_57] {strides = array<i32>} : memref<4096xi32, #tpu.memory_space<vmem>>, vector<16xi32>,
    tpu.vector_store %arg8[%swap3A_57], %select_n3A_56 {strides = array<i32>} : memref<4096xi32, #tpu.memory_space<vmem>>, vector<16xi32>,
    %dma_wait3A_59 = arith.constant 0 : i32
    %dma_wait3A_60 = tpu.memref_slice %arg6[%dma_wait3A_59] : memref<16400xf32, #tpu.memory_space<vmem>> -> memref<16384xf32, #tpu.memory_space<vmem>>
    %dma_wait3A_61 = arith.constant 0 : i32
    %dma_wait3A_62 = tpu.memref_slice %arg6[%dma_wait3A_61] : memref<16400xf32, #tpu.memory_space<vmem>> -> memref<16384xf32, #tpu.memory_space<vmem>>
    tpu.wait_dma2 semaphore(%arg11 : memref<!tpu.dma_semaphore, #tpu.memory_space<semaphore_mem>>) src(%arg2 : memref<16384xf32, #tpu.memory_space<hbm>>) dst(%dma_wait3A_62 : memref<16384xf32, #tpu.memory_space<vmem>>)
    %broadcast_in_dim3A_63 = arith.constant 0.000000e+00 : f32
    %broadcast_in_dim3A_64 = vector.broadcast %broadcast_in_dim3A_63 : f32 to vector<16xf32>
    %parallel_loop3A_65 = arith.constant 0 : i32
    %parallel_loop3A_66 = arith.constant 256 : i32
    %parallel_loop3A_67 = arith.constant 1 : i32
    %parallel_loop3A_68 = scf.for %parallel_loop3A_73 = %parallel_loop3A_65 to %parallel_loop3A_66 step %parallel_loop3A_67 iter_args(%parallel_loop3A_74 = %broadcast_in_dim3A_64) -> (vector<16xf32>)  : i32 {
      %parallel_loop3A_75 = arith.constant 16 : i32
      %parallel_loop3A_76 = arith.muli %parallel_loop3A_73, %parallel_loop3A_75 : i32
      %parallel_loop3A_77 = arith.index_cast %parallel_loop3A_76 : i32 to index
      %parallel_loop3A_78 = tpu.vector_load %arg8[%parallel_loop3A_77] {strides = array<i32>} : memref<4096xi32, #tpu.memory_space<vmem>>, vector<16xi32>,
      %parallel_loop3A_79 = tpu.vector_load_idx %arg6[%parallel_loop3A_78] : memref<16400xf32, #tpu.memory_space<vmem>>[vector<16xi32>], vector<16xf32>,
      %parallel_loop3A_80 = arith.addf %parallel_loop3A_74, %parallel_loop3A_79 : vector<16xf32>
      scf.yield %parallel_loop3A_80 : vector<16xf32>
    } {sc.loop_unroll_factor = 16 : i64, sc.parallel_access}
    %swap3A_69 = arith.constant 0 : index
    %swap3A_70 = tpu.vector_load %arg9[%swap3A_69] {strides = array<i32>} : memref<16xf32, #tpu.memory_space<vmem>>, vector<16xf32>,
    tpu.vector_store %arg9[%swap3A_69], %parallel_loop3A_68 {strides = array<i32>} : memref<16xf32, #tpu.memory_space<vmem>>, vector<16xf32>,
    "tpu.region"() ({
      %run_scoped3A = tpu.sem_alloc : memref<!tpu.dma_semaphore, #tpu.memory_space<semaphore_mem>>
      %dma_start3A_73 = arith.constant 0 : i32
      %dma_start3A_74 = tpu.memref_slice %arg4[%arg1, %dma_start3A_73] : memref<16x16xf32, #tpu.memory_space<hbm>> -> memref<1x16xf32, #tpu.memory_space<hbm>>
      %dma_start3A_75 = tpu.memref_squeeze %dma_start3A_74 : memref<1x16xf32, #tpu.memory_space<hbm>> -> memref<16xf32, #tpu.memory_space<hbm>>
      %dma_start3A_76 = arith.constant 0 : i32
      %dma_start3A_77 = tpu.memref_slice %arg4[%arg1, %dma_start3A_76] : memref<16x16xf32, #tpu.memory_space<hbm>> -> memref<1x16xf32, #tpu.memory_space<hbm>>
      %dma_start3A_78 = tpu.memref_squeeze %dma_start3A_77 : memref<1x16xf32, #tpu.memory_space<hbm>> -> memref<16xf32, #tpu.memory_space<hbm>>
      tpu.enqueue_dma source(%arg9 : memref<16xf32, #tpu.memory_space<vmem>>) target(%dma_start3A_78 : memref<16xf32, #tpu.memory_space<hbm>>) target_semaphore(%run_scoped3A : memref<!tpu.dma_semaphore, #tpu.memory_space<semaphore_mem>>)
      %dma_wait3A_79 = arith.constant 0 : i32
      %dma_wait3A_80 = tpu.memref_slice %arg4[%arg1, %dma_wait3A_79] : memref<16x16xf32, #tpu.memory_space<hbm>> -> memref<1x16xf32, #tpu.memory_space<hbm>>
      %dma_wait3A_81 = tpu.memref_squeeze %dma_wait3A_80 : memref<1x16xf32, #tpu.memory_space<hbm>> -> memref<16xf32, #tpu.memory_space<hbm>>
      %dma_wait3A_82 = arith.constant 0 : i32
      %dma_wait3A_83 = tpu.memref_slice %arg4[%arg1, %dma_wait3A_82] : memref<16x16xf32, #tpu.memory_space<hbm>> -> memref<1x16xf32, #tpu.memory_space<hbm>>
      %dma_wait3A_84 = tpu.memref_squeeze %dma_wait3A_83 : memref<1x16xf32, #tpu.memory_space<hbm>> -> memref<16xf32, #tpu.memory_space<hbm>>
      tpu.wait_dma2 semaphore(%run_scoped3A : memref<!tpu.dma_semaphore, #tpu.memory_space<semaphore_mem>>) src(%arg9 : memref<16xf32, #tpu.memory_space<vmem>>) dst(%dma_wait3A_84 : memref<16xf32, #tpu.memory_space<hbm>>)
      tpu.yield
    }) : () -> ()
    %barrier3A = arith.constant 0 : index
    tpu.barrier barrier_id(%barrier3A)
    %eq3A = arith.constant 0 : i32
    %eq3A_71 = arith.cmpi eq, %arg1, %eq3A : i32
    %convert_element_type3A = arith.extui %eq3A_71 : i1 to i32
    %cond3A = arith.constant 0 : i32
    %cond3A_72 = arith.cmpi ne, %convert_element_type3A, %cond3A : i32
    scf.if %cond3A_72 {
      "tpu.region"() ({
        %run_scoped3A = tpu.sem_alloc : memref<!tpu.dma_semaphore, #tpu.memory_space<semaphore_mem>>
        tpu.enqueue_dma source(%arg4 : memref<16x16xf32, #tpu.memory_space<hbm>>) target(%arg10 : memref<16x16xf32, #tpu.memory_space<vmem>>) target_semaphore(%run_scoped3A : memref<!tpu.dma_semaphore, #tpu.memory_space<semaphore_mem>>)
        tpu.wait_dma2 semaphore(%run_scoped3A : memref<!tpu.dma_semaphore, #tpu.memory_space<semaphore_mem>>) src(%arg4 : memref<16x16xf32, #tpu.memory_space<hbm>>) dst(%arg10 : memref<16x16xf32, #tpu.memory_space<vmem>>)
        tpu.yield
      }) : () -> ()
      %get3A_73 = arith.constant 0 : i32
      %get3A_74 = arith.index_cast %get3A_73 : i32 to index
      %get3A_75 = arith.constant 0 : index
      %get3A_76 = tpu.vector_load %arg10[%get3A_74, %get3A_75] {strides = array<i32>} : memref<16x16xf32, #tpu.memory_space<vmem>>, vector<16xf32>,
      %get3A_77 = arith.constant 1 : i32
      %get3A_78 = arith.index_cast %get3A_77 : i32 to index
      %get3A_79 = arith.constant 0 : index
      %get3A_80 = tpu.vector_load %arg10[%get3A_78, %get3A_79] {strides = array<i32>} : memref<16x16xf32, #tpu.memory_space<vmem>>, vector<16xf32>,
      %add3A = arith.addf %get3A_76, %get3A_80 : vector<16xf32>
      %get3A_81 = arith.constant 2 : i32
      %get3A_82 = arith.index_cast %get3A_81 : i32 to index
      %get3A_83 = arith.constant 0 : index
      %get3A_84 = tpu.vector_load %arg10[%get3A_82, %get3A_83] {strides = array<i32>} : memref<16x16xf32, #tpu.memory_space<vmem>>, vector<16xf32>,
      %add3A_85 = arith.addf %add3A, %get3A_84 : vector<16xf32>
      %get3A_86 = arith.constant 3 : i32
      %get3A_87 = arith.index_cast %get3A_86 : i32 to index
      %get3A_88 = arith.constant 0 : index
      %get3A_89 = tpu.vector_load %arg10[%get3A_87, %get3A_88] {strides = array<i32>} : memref<16x16xf32, #tpu.memory_space<vmem>>, vector<16xf32>,
      %add3A_90 = arith.addf %add3A_85, %get3A_89 : vector<16xf32>
      %get3A_91 = arith.constant 4 : i32
      %get3A_92 = arith.index_cast %get3A_91 : i32 to index
      %get3A_93 = arith.constant 0 : index
      %get3A_94 = tpu.vector_load %arg10[%get3A_92, %get3A_93] {strides = array<i32>} : memref<16x16xf32, #tpu.memory_space<vmem>>, vector<16xf32>,
      %add3A_95 = arith.addf %add3A_90, %get3A_94 : vector<16xf32>
      %get3A_96 = arith.constant 5 : i32
      %get3A_97 = arith.index_cast %get3A_96 : i32 to index
      %get3A_98 = arith.constant 0 : index
      %get3A_99 = tpu.vector_load %arg10[%get3A_97, %get3A_98] {strides = array<i32>} : memref<16x16xf32, #tpu.memory_space<vmem>>, vector<16xf32>,
      %add3A_100 = arith.addf %add3A_95, %get3A_99 : vector<16xf32>
      %get3A_101 = arith.constant 6 : i32
      %get3A_102 = arith.index_cast %get3A_101 : i32 to index
      %get3A_103 = arith.constant 0 : index
      %get3A_104 = tpu.vector_load %arg10[%get3A_102, %get3A_103] {strides = array<i32>} : memref<16x16xf32, #tpu.memory_space<vmem>>, vector<16xf32>,
      %add3A_105 = arith.addf %add3A_100, %get3A_104 : vector<16xf32>
      %get3A_106 = arith.constant 7 : i32
      %get3A_107 = arith.index_cast %get3A_106 : i32 to index
      %get3A_108 = arith.constant 0 : index
      %get3A_109 = tpu.vector_load %arg10[%get3A_107, %get3A_108] {strides = array<i32>} : memref<16x16xf32, #tpu.memory_space<vmem>>, vector<16xf32>,
      %add3A_110 = arith.addf %add3A_105, %get3A_109 : vector<16xf32>
      %get3A_111 = arith.constant 8 : i32
      %get3A_112 = arith.index_cast %get3A_111 : i32 to index
      %get3A_113 = arith.constant 0 : index
      %get3A_114 = tpu.vector_load %arg10[%get3A_112, %get3A_113] {strides = array<i32>} : memref<16x16xf32, #tpu.memory_space<vmem>>, vector<16xf32>,
      %add3A_115 = arith.addf %add3A_110, %get3A_114 : vector<16xf32>
      %get3A_116 = arith.constant 9 : i32
      %get3A_117 = arith.index_cast %get3A_116 : i32 to index
      %get3A_118 = arith.constant 0 : index
      %get3A_119 = tpu.vector_load %arg10[%get3A_117, %get3A_118] {strides = array<i32>} : memref<16x16xf32, #tpu.memory_space<vmem>>, vector<16xf32>,
      %add3A_120 = arith.addf %add3A_115, %get3A_119 : vector<16xf32>
      %get3A_121 = arith.constant 10 : i32
      %get3A_122 = arith.index_cast %get3A_121 : i32 to index
      %get3A_123 = arith.constant 0 : index
      %get3A_124 = tpu.vector_load %arg10[%get3A_122, %get3A_123] {strides = array<i32>} : memref<16x16xf32, #tpu.memory_space<vmem>>, vector<16xf32>,
      %add3A_125 = arith.addf %add3A_120, %get3A_124 : vector<16xf32>
      %get3A_126 = arith.constant 11 : i32
      %get3A_127 = arith.index_cast %get3A_126 : i32 to index
      %get3A_128 = arith.constant 0 : index
      %get3A_129 = tpu.vector_load %arg10[%get3A_127, %get3A_128] {strides = array<i32>} : memref<16x16xf32, #tpu.memory_space<vmem>>, vector<16xf32>,
      %add3A_130 = arith.addf %add3A_125, %get3A_129 : vector<16xf32>
      %get3A_131 = arith.constant 12 : i32
      %get3A_132 = arith.index_cast %get3A_131 : i32 to index
      %get3A_133 = arith.constant 0 : index
      %get3A_134 = tpu.vector_load %arg10[%get3A_132, %get3A_133] {strides = array<i32>} : memref<16x16xf32, #tpu.memory_space<vmem>>, vector<16xf32>,
      %add3A_135 = arith.addf %add3A_130, %get3A_134 : vector<16xf32>
      %get3A_136 = arith.constant 13 : i32
      %get3A_137 = arith.index_cast %get3A_136 : i32 to index
      %get3A_138 = arith.constant 0 : index
      %get3A_139 = tpu.vector_load %arg10[%get3A_137, %get3A_138] {strides = array<i32>} : memref<16x16xf32, #tpu.memory_space<vmem>>, vector<16xf32>,
      %add3A_140 = arith.addf %add3A_135, %get3A_139 : vector<16xf32>
      %get3A_141 = arith.constant 14 : i32
      %get3A_142 = arith.index_cast %get3A_141 : i32 to index
      %get3A_143 = arith.constant 0 : index
      %get3A_144 = tpu.vector_load %arg10[%get3A_142, %get3A_143] {strides = array<i32>} : memref<16x16xf32, #tpu.memory_space<vmem>>, vector<16xf32>,
      %add3A_145 = arith.addf %add3A_140, %get3A_144 : vector<16xf32>
      %get3A_146 = arith.constant 15 : i32
      %get3A_147 = arith.index_cast %get3A_146 : i32 to index
      %get3A_148 = arith.constant 0 : index
      %get3A_149 = tpu.vector_load %arg10[%get3A_147, %get3A_148] {strides = array<i32>} : memref<16x16xf32, #tpu.memory_space<vmem>>, vector<16xf32>,
      %add3A_150 = arith.addf %add3A_145, %get3A_149 : vector<16xf32>
      %mul3A_151 = arith.constant -9.765625E-4 : f32
      %mul3A_152 = vector.broadcast %mul3A_151 : f32 to vector<16xf32>
      %mul3A_153 = arith.mulf %add3A_150, %mul3A_152 : vector<16xf32>
      %broadcast_in_dim3A_154 = arith.constant true
      %broadcast_in_dim3A_155 = vector.broadcast %broadcast_in_dim3A_154 : i1 to vector<16xi1>
      %masked_cumsum3A = tpu.scan <sum>, %mul3A_153 masked %broadcast_in_dim3A_155 : vector<16xf32>, vector<16xi1> -> vector<16xf32>
      %swap3A_156 = arith.constant 0 : index
      %swap3A_157 = tpu.vector_load %arg9[%swap3A_156] {strides = array<i32>} : memref<16xf32, #tpu.memory_space<vmem>>, vector<16xf32>,
      tpu.vector_store %arg9[%swap3A_156], %masked_cumsum3A {strides = array<i32>} : memref<16xf32, #tpu.memory_space<vmem>>, vector<16xf32>,
      "tpu.region"() ({
        %run_scoped3A = tpu.sem_alloc : memref<!tpu.dma_semaphore, #tpu.memory_space<semaphore_mem>>
        tpu.enqueue_dma source(%arg9 : memref<16xf32, #tpu.memory_space<vmem>>) target(%arg5 : memref<16xf32, #tpu.memory_space<hbm>>) target_semaphore(%run_scoped3A : memref<!tpu.dma_semaphore, #tpu.memory_space<semaphore_mem>>)
        tpu.wait_dma2 semaphore(%run_scoped3A : memref<!tpu.dma_semaphore, #tpu.memory_space<semaphore_mem>>) src(%arg9 : memref<16xf32, #tpu.memory_space<vmem>>) dst(%arg5 : memref<16xf32, #tpu.memory_space<hbm>>)
        tpu.yield
      }) : () -> ()
    } else {
    }
    return
  }
}

</mosaic_0001>

<sc_bundles>
// kernel: kernel.3.cloned.1.call-start
scs
__scs_entry_jumppad:
0x0: {  	(pc) =	sbr.rel $0x88, $3  }
0x1: {  	(tag) =	ssettag $0x0;
	lr =	simm.s32 $0x1  }
0x2: {  	[smem:$0x3F9F] =	sst lr;
	_ =	strace $0xD0000000  }
0x3: {  	_ = 	snop  }
0x4: {  	_ = 	snop  }
0x5: {  	_ = 	snop  }
0x6: {  	_ = 	snop  }
0x7: {  	_ = 	snop  }
__scs_overlays_trampoline_lowered:
0x8: {  	[smem:$0x3FAE] =	sst s0  }
0x9: {  	[smem:$0x3FAF] =	sst s1  }
0xa: {  	[smem:$0x3FB0] =	sst s2  }
0xb: {  	[smem:$0x3FB1] =	sst s3  }
0xc: {  	[smem:$0x3FB2] =	sst s4  }
0xd: {  	[smem:$0x3FB3] =	sst s5  }
0xe: {  	[smem:$0x3FB4] =	sst s6  }
0xf: {  	[smem:$0x3FB5] =	sst s7  }
0x10: {  	[smem:$0x3FB6] =	sst s8  }
0x11: {  	[smem:$0x3FB7] =	sst s9;
	s0 =	simm.s32 @!p0 $0x0  }
0x12: {  	s1 =	sld [smem:$0x3F9D];
	s0 =	simm.s32 @p0 $0x1  }
0x13: {  	[smem:$0x3FB8] =	sst s0;
	s0 =	simm.s32 @!p1 $0x0  }
0x14: {  	s2 =	sld [smem:$0x3F9C];
	s0 =	simm.s32 @p1 $0x1  }
0x15: {  	[smem:$0x3FB9] =	sst s0;
	s0 =	simm.s32 @!p2 $0x0  }
0x16: {  	s3 =	sld [smem:$0x3FDB];
	s0 =	simm.s32 @p2 $0x1  }
0x17: {  	s4 =	simm.s32 $0x1BF5;
	[smem:$0x3FBB] =	sst s0  }
0x18: {  	s0 =	sld [smem:$0x3F9E];
	_ =	swait.ge [sflag:s4], $0x0  }
0x19: {  	s7 =	sld [smem:$0x3F9F]  }
0x1a: {  	s8 =	sadd.s32 $0xFFFFE003, lr  }
0x1b: {  	s9 =	sadd.s32 $0xFFFFFEF7, lr;
	s5 =	simm.s32 $0xFFFFFFFF;
	p2 =	slt.u32 s8, $0xFFFFF086  }
0x1c: {  	p1 =	slt.u32 s9, $0xF7A;
	s5 =	simm.s32 @!p2 $0x0  }
0x1d: {  	s5 =	simm.s32 @p1 $0x1;
	p0 =	seq.s32 s7, s2  }
0x1e: {  	s7 =	smul.u32 @!p0 $0xF7A, s2;
	p2 =	seq.s32 @!p0 s5, $0x0  }
0x1f: {  	s9 =	smul.u32 $0xF7A, s1;
	s8 =	simm.s32 @!p0 $0x1BF5;
	p2 =	por !p2, p0  }
0x20: {  	[sflag:s8] =	ssyncset.s32 @!p0 $0xFFFFF086;
	s6 =	sadd.s32 @!p0 s3, s7;
	s7 =	simm.s32 @!p0 $0x108  }
0x21: {  	s3 =	sadd.s32 s3, s9;
	s6 =	sadd.s32 @!p0 $0x88, s6;
	s7 =	simm.s32 @p2 $0x1082  }
0x22: {  	[simem:s7], [sflag:s8] =	dma.local @!p0 [hbm:s6], $0xF7A  }
0x23: {  	s9 =	sor.u32 $0xD0000000, s2;
	s6 =	simm.s32 $0x108;
	_ =	swait.ge @!p0 [sflag:s8], $0x0  }
0x24: {  	s3 =	sadd.s32 $0x88, s3;
	s6 =	simm.s32 @!p1 $0x1082;
	[sflag:s4] =	ssyncset.s32 $0xFFFFF086  }
0x25: {  	[simem:s6], [sflag:s4] =	dma.local [hbm:s3], $0xF7A  }
0x26: {  	[smem:$0x3F9F] =	sst s1;
	(tag) =	ssettag s2;
	_ =	strace s9  }
0x27: {  	s1 =	sld [smem:$0x3FAF]  }
0x28: {  	s2 =	sld [smem:$0x3FB0]  }
0x29: {  	s4 =	sld [smem:$0x3FB2]  }
0x2a: {  	p0 =	seq.s32 s5, $0x0;
	s5 =	sld [smem:$0x3FB3]  }
0x2b: {  	s6 =	sld [smem:$0x3FB4]  }
0x2c: {  	s7 =	sld [smem:$0x3FB5]  }
0x2d: {  	s3 =	simm.s32 $0x108;
	s8 =	sld [smem:$0x3FB6]  }
0x2e: {  	s3 =	simm.s32 @!p0 $0x1082;
	s9 =	sld [smem:$0x3FB7]  }
0x2f: {  	lr =	sadd.s32 s0, s3;
	s0 =	sld [smem:$0x3FAE]  }
0x30: {  	s3 =	sld [smem:$0x3FB1]  }
0x31: {  	[smem:$0x3FBA] =	sst s10  }
0x32: {  	s10 =	sld [smem:$0x3FB8];
	_ =	sdelay $0x3  }
0x33: {  	p0 =	seq.s32 s10, $0x1;
	s10 =	sld [smem:$0x3FBA];
	_ =	sdelay $0x3  }
0x34: {  	[smem:$0x3FBA] =	sst s10  }
0x35: {  	s10 =	sld [smem:$0x3FB9];
	_ =	sdelay $0x3  }
0x36: {  	p1 =	seq.s32 s10, $0x1;
	s10 =	sld [smem:$0x3FBA];
	_ =	sdelay $0x3  }
0x37: {  	[smem:$0x3FBA] =	sst s10  }
0x38: {  	s10 =	sld [smem:$0x3FBB]  }
0x39: {  	_ = 	snop;
	(pc) =	sbr.ind lr, $3  }
0x3a: {  	_ = 	snop  }
0x3b: {  	_ = 	snop  }
0x3c: {  	p2 =	seq.s32 s10, $0x1;
	s10 =	sld [smem:$0x3FBA]  }
0x3d: {  	_ =	shalt  }
0x3e: {  	_ =	shalt  }
0x3f: {  	_ =	shalt  }
0x40: {  	_ =	shalt  }
0x41: {  	_ =	shalt  }
0x42: {  	_ =	shalt  }
0x43: {  	_ =	shalt  }
0x44: {  	_ =	shalt  }
0x45: {  	_ =	shalt  }
0x46: {  	_ =	shalt  }
0x47: {  	_ =	shalt  }
0x48: {  	_ =	shalt  }
0x49: {  	_ =	shalt  }
0x4a: {  	_ =	shalt  }
0x4b: {  	_ =	shalt  }
0x4c: {  	_ =	shalt  }
0x4d: {  	_ =	shalt  }
0x4e: {  	_ =	shalt  }
0x4f: {  	_ =	shalt  }
0x50: {  	_ =	shalt  }
0x51: {  	_ =	shalt  }
0x52: {  	_ =	shalt  }
0x53: {  	_ =	shalt  }
0x54: {  	_ =	shalt  }
0x55: {  	_ =	shalt  }
0x56: {  	_ =	shalt  }
0x57: {  	_ =	shalt  }
0x58: {  	_ =	shalt  }
0x59: {  	_ =	shalt  }
0x5a: {  	_ =	shalt  }
0x5b: {  	_ =	shalt  }
0x5c: {  	_ =	shalt  }
0x5d: {  	_ =	shalt  }
0x5e: {  	_ =	shalt  }
0x5f: {  	_ =	shalt  }
0x60: {  	_ =	shalt  }
0x61: {  	_ =	shalt  }
0x62: {  	_ =	shalt  }
0x63: {  	_ =	shalt  }
0x64: {  	_ =	shalt  }
0x65: {  	_ =	shalt  }
0x66: {  	_ =	shalt  }
0x67: {  	_ =	shalt  }
0x68: {  	_ =	shalt  }
0x69: {  	_ =	shalt  }
0x6a: {  	_ =	shalt  }
0x6b: {  	_ =	shalt  }
0x6c: {  	_ =	shalt  }
0x6d: {  	_ =	shalt  }
0x6e: {  	_ =	shalt  }
0x6f: {  	_ =	shalt  }
0x70: {  	_ =	shalt  }
0x71: {  	_ =	shalt  }
0x72: {  	_ =	shalt  }
0x73: {  	_ =	shalt  }
0x74: {  	_ =	shalt  }
0x75: {  	_ =	shalt  }
0x76: {  	_ =	shalt  }
0x77: {  	_ =	shalt  }
0x78: {  	_ =	shalt  }
0x79: {  	_ =	shalt  }
0x7a: {  	_ =	shalt  }
0x7b: {  	_ =	shalt  }
0x7c: {  	_ =	shalt  }
0x7d: {  	_ =	shalt  }
0x7e: {  	_ =	shalt  }
0x7f: {  	_ =	shalt  }
0x80: {  	_ =	shalt  }
0x81: {  	_ =	shalt  }
0x82: {  	_ =	shalt  }
0x83: {  	_ =	shalt  }
0x84: {  	_ =	shalt  }
0x85: {  	_ =	shalt  }
0x86: {  	_ =	shalt  }
0x87: {  	_ =	shalt  }
.Lfunc_end0:
.L_simem_size_0:
called_computation_lowered:
.L_overlay_start_0:
0x88: {  	s0 =	sld [smem:$0x3FD9]  }
0x89: {  	s1 =	sld [smem:$0x3FFE];
	_ =	sdelay $0x3  }
0x8a: {  	s0 =	sadd.s32 s1, s0  }
0x8b: {  	[smem:$0x3FC6] =	sst s0  }
0x8c: {  	_ = 	snop  }
0x8d: {  	s0 =	sld [smem:$0x3FC8]  }
0x8e: {  	s16 =	sld [smem:$0x3FD0];
	(tm) =	ssettm $0x1  }
0x8f: {  	s2 =	sld [smem:$0x3FFB];
	_ =	sdelay $0x3  }
0x90: {  	_ =	strace s2  }
0x91: {  	s2 =	sld [smem:$0x3FFC];
	_ =	sdelay $0x3  }
0x92: {  	_ =	strace s2  }
0x93: {  	s2 =	sld [smem:$0x3FFD];
	_ =	sdelay $0x3  }
0x94: {  	_ =	strace s2  }
0x95: {  	_ =	strace $0x8FFFFFFF  }
0x96: {  	s17 =	sld [smem:$0x3FDB];
	_ =	sdelay $0x1  }
0x97: {  	s3 =	simm.s32 $_scs_section_size  }
0x98: {  	s4 =	simm.s32 $_size__tile_overlayer_lowered;
	s5 =	simm.s32 $_tile_overlayer_lowered  }
0x99: {  	s20 =	simm.s32 $0x1BFF;
	s19 =	sshll.u32 s5, $0x1;
	s2 =	sadd.s32 s3, s17  }
0x9a: {  	s6 =	simm.s32 $0x0;
	s18 =	sshll.u32 s4, $0x1;
	s4 =	sadd.s32 s19, s2  }
0x9b: {  	[timem:s6], [sflag:s20] =	dma.local [hbm:s4], s18  }
0x9c: {  	_ =	swait.ge [sflag:s20], s18  }
0x9d: {  	s3 =	ssub.s32 $0x0, s18;
	[sflag:s20] =	ssyncset.done $0x0  }
0x9e: {  	[sflag:s20] =	ssyncadd.s32 s3;
	_ =	sdelay $0x1  }
0x9f: {  	s21 =	simm.s32 $0x1B8B  }
0xa0: {  	_ =	swait.ge [sflag:s21], $0x1  }
0xa1: {  	[sflag:s21] =	ssyncset.done $0x0  }
0xa2: {  	s23 =	simm.s32 $0x1B8E;
	s22 =	sld [smem:$0x3FFE];
	[sflag:s21] =	ssyncadd.s32 $0xFFFFFFFF  }
0xa3: {  	s24 =	simm.s32 $execute0_lowered;
	[smem:$0x3FD2] =	sst s23  }
0xa4: {  	s4 =	sshll.u32 s24, $0x1;
	_ =	strace $0x80000046;
	[dreg:$0x1] =	wrdreg $0xFFFFFFFF  }
0xa5: {  	s25 =	simm.s32 $_size_execute0_lowered;
	s2 =	sadd.s32 s2, s4;
	[dreg:$0x0] =	wrdreg $0x0  }
0xa6: {  	s4 =	sshll.u32 s25, $0x1;
	[dreg:$0x2] =	wrdreg s2  }
0xa7: {  	[dreg:$0x3] =	wrdreg s4  }
0xa8: {  	[dreg:$0x4] =	wrdreg $0xC0  }
0xa9: {  	_ =	task [dreg:s6], $0x5FFFF  }
0xaa: {  	[dreg:$0x1] =	wrdreg $0xFFFFFFFF  }
0xab: {  	[dreg:$0x0] =	wrdreg $0x60  }
0xac: {  	[dreg:$0x2] =	wrdreg s0  }
0xad: {  	[dreg:$0x3] =	wrdreg s22  }
0xae: {  	[dreg:$0x4] =	wrdreg s16  }
0xaf: {  	[dreg:$0x5] =	wrdreg $0x9  }
0xb0: {  	_ =	task.clear_ibuf [dreg:s6], $0x6FFFF;
	_ =	strace $0x90000046  }
0xb1: {  	s26 =	simm.s32 $0x9;
	_ =	strace $0x80000048  }
0xb2: {  	_ =	swait.ge [sflag:s26], $0x1  }
0xb3: {  	[sflag:s26] =	ssyncadd.s32 $0xFFFFFFFF  }
0xb4: {  	_ =	strace $0x90000048  }
0xb5: {  	_ =	sfence  }
0xb6: {  	s28 =	sld [smem:$0x0];
	_ =	sdelay $0x1  }
0xb7: {  	s29 =	srdreg.scid  }
0xb8: {  	s30 =	sshll.u32 s29, $0xD;
	s31 =	sshrl.u32 s29, $0x2  }
0xb9: {  	s1 =	sand.u32 $0x1, s29;
	s2 =	sand.u32 $0x4000, s30;
	s0 =	sadd.s32 s31, s28  }
0xba: {  	s1 =	sor.u32 s2, s1;
	s0 =	sshll.u32 s0, $0x11  }
0xbb: {  	s0 =	sor.u32 s0, s1  }
0xbc: {  	s0 =	sadd.s32 $0x8F2B, s0  }
0xbd: {  	[sflag:s0] =	ssyncadd.remote.s32 $0x1  }
0xbe: {  	_ =	sfence.sel $0xFFFF  }
0xbf: {  	[dreg:$0x0] =	wrdreg $0xFFFFFFFF;
	(pc) =	sbr.abs _section_cstart, $3  }
0xc0: {  	[dreg:$0x1] =	wrdreg $0xFFFFFFFF  }
0xc1: {  	_ =	task.clear_ibuf [dreg:s6], $0x2FFFF;
	_ =	strace $0x9FFFFFFF  }
0xc2: {  	(tm) =	ssettm $0x7FFFFFFF  }
0xc3: {  	_ =	shalt  }
tec
execute0_lowered:
.L_overlay_start_1:
0x0: {  	(tag) =	ssettag $0x1  }
0x1: {  	s3 =	rddreg [dreg:$0x0]  }
0x2: {  	s5 =	rddreg [dreg:$0x1]  }
0x3: {  	s1 =	rddreg [dreg:$0x2];
	s4 =	simm.s32 $0x0;
	s2 =	stileid.u32  }
0x4: {  	[smem:$0x7FF] =	sst s4;
	s6 =	sshll.u32 s2, $0x9  }
0x5: {  	s0 =	rddreg [dreg:$0x3];
	_ =	strace $0x80000047;
	s6 =	sadd.s32 s6, s5  }
0x6: {  	[tilespmem:s4], [sflag:$0x1] =	stream.linear.gather [hbm4b:s3+s4], $0x4000, $0x38;
	[tilespmem:$0x6980] =	vst v63  }
0x7: {  	s29 =	simm.s32 $0x4080;
	s28 =	sadd.s32 $0xA00, s6  }
0x8: {  	v0 =	vimm.f32 $0.0e+00;
	[tilespmem:s29], [sflag:$0x2] =	stream.linear.gather [hbm4b:s28+s4], $0x1000, $0x38;
	[tilespmem:$0x6980] =	vst v63  }
0x9: {  	[tilespmem:$0x4000] =	vst v0;
	v0 =	vimm.s32 $0x0  }
0xa: {  	s30 =	simm.s32 $0x2;
	[tilespmem:$0x5080] =	vst v0  }
0xb: {  	_ =	swait.ge [sflag:s30], $0x1000  }
0xc: {  	[sflag:s30] =	ssyncset.done $0x0  }
0xd: {  	s31 =	simm.s32 $0x40A0;
	[sflag:s30] =	ssyncadd.s32 $0xFFFFF000  }
0xe: {  	v3 =	vld [tilespmem:s31+$0x10]  }
0xf: {  	v4 =	vld [tilespmem:s31+$0x11]  }
0x10: {  	v5 =	vld [tilespmem:s31+$0xFFFFFFF0]  }
0x11: {  	v0 =	vld [tilespmem:s31+$0x0]  }
0x12: {  	v1 =	vld [tilespmem:s31+$0xFFFFFFE0]  }
0x13: {  	v2 =	vld [tilespmem:s31+$0xFFFFFFE1];
	v6 =	vshll.u32 v3, $0x7  }
0x14: {  	s4 =	simm.s32 $0x5120;
	v3 =	vld [tilespmem:s31+$0xFFFFFFF1];
	v6 =	vadd.s32 v4, v6  }
0x15: {  	s3 =	sadd.s32 $0x2A00, s5;
	s5 =	simm.s32 $0x0;
	s6 =	simm.s32 $0x40E0;
	v5 =	vshll.u32 v5, $0x7;
	v4 =	vld [tilespmem:s31+$0x1];
	[tilespmem:s4+$0x10] =	vst v6  }
.LBB2_1:
0x16: {  	v6 =	vld [tilespmem:s6+$0x10];
	s5 =	sadd.s32 $0x4, s5;
	v7 =	vshll.u32 v0, $0x7  }
0x17: {  	v8 =	vld [tilespmem:s6+$0x11];
	p0 =	slt.u32 s5, $0xFC;
	v0 =	vshll.u32 v1, $0x7  }
0x18: {  	v9 =	vld [tilespmem:s6+$0xFFFFFFF0];
	v1 =	vadd.s32 v2, v0  }
.Ltmp0:
0x19: {  	v0 =	vld [tilespmem:s6+$0x0];
	[tilespmem:s4+$0xFFFFFFE0] =	vst v1;
	v2 =	vadd.s32 v3, v5;
	(pc) =	sbr.rel @p0 .LBB2_1-.Ltmp0, $4  }
0x1a: {  	v1 =	vld [tilespmem:s6+$0xFFFFFFE0];
	[tilespmem:s4+$0xFFFFFFF0] =	vst v2;
	v3 =	vadd.s32 v4, v7  }
0x1b: {  	v2 =	vld [tilespmem:s6+$0xFFFFFFE1];
	v4 =	vshll.u32 v6, $0x7;
	[tilespmem:s4+$0x0] =	vst v3  }
0x1c: {  	s4 =	sadd.s32 $0x40, s4;
	v3 =	vld [tilespmem:s6+$0xFFFFFFF1];
	v6 =	vadd.s32 v8, v4  }
0x1d: {  	v5 =	vshll.u32 v9, $0x7;
	v4 =	vld [tilespmem:s6+$0x1];
	[tilespmem:s4+$0x10] =	vst v6;
	s6 =	sadd.s32 $0x40, s6  }
0x1e: {  	_ = 	snop  }
0x1f: {  	v1 =	vshll.u32 v1, $0x7  }
0x20: {  	v1 =	vadd.s32 v2, v1  }
0x21: {  	v0 =	vshll.u32 v0, $0x7;
	[tilespmem:s4+$0xFFFFFFE0] =	vst v1;
	v1 =	vadd.s32 v3, v5  }
0x22: {  	[tilespmem:s4+$0xFFFFFFF0] =	vst v1;
	v0 =	vadd.s32 v4, v0  }
0x23: {  	[tilespmem:s4+$0x0] =	vst v0  }
0x24: {  	v0 =	vld [tilespmem:$0x54F0]  }
0x25: {  	v1 =	vld [tilespmem:$0x58F0]  }
0x26: {  	v2 =	vld [tilespmem:$0x5CF0]  }
0x27: {  	v3 =	vlaneseq.u32;
	v4 =	vld [tilespmem:$0x60F0]  }
0x28: {  	vm0 =	veq.s32 v3, $0xF  }
0x29: {  	v0 =	vsel vm0, $0x4000, v0  }
0x2a: {  	[tilespmem:$0x54F0] =	vst v0;
	v0 =	vsel vm0, $0x4000, v1  }
0x2b: {  	[tilespmem:$0x58F0] =	vst v0;
	v0 =	vsel vm0, $0x4000, v2  }
0x2c: {  	[tilespmem:$0x5CF0] =	vst v0;
	v0 =	vsel vm0, $0x4000, v4  }
0x2d: {  	s31 =	simm.s32 $0x1;
	[tilespmem:$0x60F0] =	vst v0  }
0x2e: {  	_ =	swait.ge [sflag:s31], $0x4000  }
0x2f: {  	[sflag:s31] =	ssyncset.done $0x0  }
0x30: {  	s5 =	simm.s32 $0x5180;
	[sflag:s31] =	ssyncadd.s32 $0xFFFFC000  }
0x31: {  	v0 =	vld [tilespmem:s5+$0xFFFFFF80];
	_ =	sdelay $0x1  }
0x32: {  	v1 =	vld [tilespmem:s5+$0xFFFFFF90];
	_ =	sdelay $0x1  }
0x33: {  	v2 =	vld [tilespmem:s5+$0xFFFFFFA0]  }
0x34: {  	v3 =	vld [tilespmem:s5+$0xFFFFFFB0]  }
0x35: {  	v8 =	vld [tilespmem:s5+$0xFFFFFFF0]  }
0x36: {  	s4 =	simm.s32 $0x0;
	v4 =	vld [tilespmem:s5+$0xFFFFFFC0]  }
0x37: {  	v0 =	vld.idx.msk [tilespmem:v0+s4+$0x0], $0xffff  }
0x38: {  	v5 =	vld [tilespmem:s5+$0xFFFFFFD0]  }
0x39: {  	v1 =	vld.idx.msk [tilespmem:v1+s4+$0x0], $0xffff  }
0x3a: {  	v6 =	vld [tilespmem:s5+$0xFFFFFFE0]  }
0x3b: {  	v7 =	vimm.f32 $0.0e+00;
	v2 =	vld.idx.msk [tilespmem:v2+s4+$0x0], $0xffff  }
0x3c: {  	v3 =	vld.idx.msk [tilespmem:v3+s4+$0x0], $0xffff;
	v0 =	vadd.f32 v0, v7  }
0x3d: {  	v8 =	vld.idx.msk [tilespmem:v8+s4+$0x0], $0xffff  }
0x3e: {  	v7 =	vld [tilespmem:s5+$0x0];
	v0 =	vadd.f32 v1, v0  }
0x3f: {  	v1 =	vld.idx.msk [tilespmem:v4+s4+$0x0], $0xffff  }
0x40: {  	v4 =	vld [tilespmem:s5+$0x10];
	v0 =	vadd.f32 v2, v0  }
0x41: {  	v2 =	vld.idx.msk [tilespmem:v5+s4+$0x0], $0xffff  }
0x42: {  	v5 =	vld [tilespmem:s5+$0x20];
	v0 =	vadd.f32 v3, v0  }
0x43: {  	v3 =	vld.idx.msk [tilespmem:v6+s4+$0x0], $0xffff  }
0x44: {  	v6 =	vld [tilespmem:s5+$0x30];
	v1 =	vadd.f32 v1, v0  }
0x45: {  	v0 =	vld [tilespmem:s5+$0x40]  }
0x46: {  	v7 =	vld.idx.msk [tilespmem:v7+s4+$0x0], $0xffff;
	v2 =	vadd.f32 v2, v1  }
0x47: {  	v1 =	vld [tilespmem:s5+$0x50]  }
0x48: {  	v4 =	vld.idx.msk [tilespmem:v4+s4+$0x0], $0xffff;
	v3 =	vadd.f32 v3, v2  }
0x49: {  	v2 =	vld [tilespmem:s5+$0x60]  }
0x4a: {  	v5 =	vld.idx.msk [tilespmem:v5+s4+$0x0], $0xffff;
	v8 =	vadd.f32 v8, v3  }
0x4b: {  	v3 =	vld [tilespmem:s5+$0x70]  }
0x4c: {  	s6 =	simm.s32 $0x5280;
	s5 =	simm.s32 $0x0;
	v6 =	vld.idx.msk [tilespmem:v6+s4+$0x0], $0xffff;
	v7 =	vadd.f32 v7, v8  }
.LBB2_3:
0x4d: {  	v8 =	vld [tilespmem:s6+$0xFFFFFF80]  }
0x4e: {  	s5 =	sadd.s32 $0x10, s5;
	v4 =	vadd.f32 v4, v7;
	v0 =	vld.idx.msk [tilespmem:v0+s4+$0x0], $0xffff  }
0x4f: {  	p0 =	slt.u32 s5, $0xF0;
	v7 =	vld [tilespmem:s6+$0xFFFFFF90]  }
0x50: {  	v4 =	vadd.f32 v5, v4;
	v1 =	vld.idx.msk [tilespmem:v1+s4+$0x0], $0xffff  }
0x51: {  	v5 =	vld [tilespmem:s6+$0xFFFFFFA0]  }
0x52: {  	v4 =	vadd.f32 v6, v4;
	v2 =	vld.idx.msk [tilespmem:v2+s4+$0x0], $0xffff  }
0x53: {  	v6 =	vld [tilespmem:s6+$0xFFFFFFB0]  }
0x54: {  	v0 =	vadd.f32 v0, v4;
	v3 =	vld.idx.msk [tilespmem:v3+s4+$0x0], $0xffff  }
0x55: {  	v4 =	vld [tilespmem:s6+$0xFFFFFFC0]  }
0x56: {  	v8 =	vld.idx.msk [tilespmem:v8+s4+$0x0], $0xffff;
	v0 =	vadd.f32 v1, v0  }
0x57: {  	v1 =	vld [tilespmem:s6+$0xFFFFFFD0]  }
0x58: {  	v7 =	vld.idx.msk [tilespmem:v7+s4+$0x0], $0xffff;
	v0 =	vadd.f32 v2, v0  }
0x59: {  	v2 =	vld [tilespmem:s6+$0xFFFFFFE0]  }
0x5a: {  	v5 =	vld.idx.msk [tilespmem:v5+s4+$0x0], $0xffff;
	v0 =	vadd.f32 v3, v0  }
0x5b: {  	v3 =	vld [tilespmem:s6+$0xFFFFFFF0]  }
0x5c: {  	v0 =	vadd.f32 v8, v0;
	v6 =	vld.idx.msk [tilespmem:v6+s4+$0x0], $0xffff  }
0x5d: {  	v8 =	vld [tilespmem:s6+$0x0]  }
0x5e: {  	v0 =	vadd.f32 v7, v0;
	v4 =	vld.idx.msk [tilespmem:v4+s4+$0x0], $0xffff  }
0x5f: {  	v7 =	vld [tilespmem:s6+$0x10]  }
0x60: {  	v0 =	vadd.f32 v5, v0;
	v1 =	vld.idx.msk [tilespmem:v1+s4+$0x0], $0xffff  }
0x61: {  	v5 =	vld [tilespmem:s6+$0x20]  }
0x62: {  	v0 =	vadd.f32 v6, v0;
	v2 =	vld.idx.msk [tilespmem:v2+s4+$0x0], $0xffff  }
0x63: {  	v6 =	vld [tilespmem:s6+$0x30]  }
0x64: {  	v4 =	vadd.f32 v4, v0;
	v3 =	vld.idx.msk [tilespmem:v3+s4+$0x0], $0xffff  }
0x65: {  	v0 =	vld [tilespmem:s6+$0x40]  }
0x66: {  	v4 =	vadd.f32 v1, v4;
	v8 =	vld.idx.msk [tilespmem:v8+s4+$0x0], $0xffff  }
0x67: {  	v1 =	vld [tilespmem:s6+$0x50]  }
.Ltmp1:
0x68: {  	v9 =	vadd.f32 v2, v4;
	v4 =	vld.idx.msk [tilespmem:v7+s4+$0x0], $0xffff;
	(pc) =	sbr.rel @p0 .LBB2_3-.Ltmp1, $4  }
0x69: {  	v2 =	vld [tilespmem:s6+$0x60]  }
0x6a: {  	v7 =	vadd.f32 v3, v9;
	v5 =	vld.idx.msk [tilespmem:v5+s4+$0x0], $0xffff  }
0x6b: {  	v3 =	vld [tilespmem:s6+$0x70]  }
0x6c: {  	s6 =	sadd.s32 $0x100, s6;
	v7 =	vadd.f32 v8, v7;
	v6 =	vld.idx.msk [tilespmem:v6+s4+$0x0], $0xffff  }
0x6d: {  	_ =	sdelay $0x2  }
0x6e: {  	v4 =	vadd.f32 v4, v7  }
0x6f: {  	v0 =	vld.idx.msk [tilespmem:v0+s4+$0x0], $0xffff  }
0x70: {  	v4 =	vadd.f32 v5, v4  }
0x71: {  	v1 =	vld.idx.msk [tilespmem:v1+s4+$0x0], $0xffff  }
0x72: {  	v4 =	vadd.f32 v6, v4  }
0x73: {  	v2 =	vld.idx.msk [tilespmem:v2+s4+$0x0], $0xffff  }
0x74: {  	v0 =	vadd.f32 v0, v4  }
0x75: {  	v3 =	vld.idx.msk [tilespmem:v3+s4+$0x0], $0xffff  }
0x76: {  	v0 =	vadd.f32 v1, v0;
	_ =	sdelay $0x1  }
0x77: {  	v0 =	vadd.f32 v2, v0;
	_ =	sdelay $0x1  }
0x78: {  	v0 =	vadd.f32 v3, v0  }
0x79: {  	s30 =	sshll.u32 s2, $0x4;
	s5 =	simm.s32 $0x0  }
0x7a: {  	s6 =	simm.s32 $0x6100;
	s31 =	simm.s32 $0x3;
	s4 =	sadd.s32 s3, s30;
	[tilespmem:$0x6100] =	vst v0  }
0x7b: {  	[hbm4b:s4+s5] =	stream.linear.scatter [tilespmem:s6], [sflag:$0x3], $0x80, $0x38;
	[tilespmem:$0x6980] =	vst v63  }
0x7c: {  	_ =	swait.ge [sflag:s31], $0x80  }
0x7d: {  	[sflag:s31] =	ssyncset.done $0x0  }
0x7e: {  	[sflag:s31] =	ssyncadd.s32 $0xFFFFFF80  }
0x7f: {  	p0 =	sne.s32 s2, $0x0;
	[bflag:$0x0] =	sbarrier.arrive $0xFFFF  }
0x80: {  	_ =	sfence.sel @p0 $0x180000  }
0x81: {  	[bflag:$0x0] =	sbarrier.arrive @p0 $0xFFFF  }
0x82: {  	_ =	strace @p0 $0x90000047  }
0x83: {  	s2 =	simm.s32 @!p0 $0x0;
	s4 =	simm.s32 @!p0 $0x6180;
	[bflag:$0x2] =	sbarrier.arrive @p0 $0xFFFF  }
0x84: {  	[tilespmem:s4], [sflag:$0x3] =	stream.linear.gather @!p0 [hbm4b:s3+s2], $0x800, $0x38;
	[tilespmem:$0x6980] =	vst v63  }
0x85: {  	s3 =	simm.s32 @!p0 $0x3  }
0x86: {  	_ =	swait.ge @!p0 [sflag:s3], $0x800  }
0x87: {  	[sflag:s3] =	ssyncset.done @!p0 $0x0  }
0x88: {  	[sflag:s3] =	ssyncadd.s32 @!p0 $0xFFFFF800  }
0x89: {  	v0 =	vld @!p0 [tilespmem:$0x6180]  }
0x8a: {  	v1 =	vld @!p0 [tilespmem:$0x6200];
	_ =	sdelay $0x1  }
0x8b: {  	v2 =	vld @!p0 [tilespmem:$0x6280];
	_ =	sdelay $0x1  }
0x8c: {  	v3 =	vld @!p0 [tilespmem:$0x6300]  }
0x8d: {  	v0 =	vadd.f32 @!p0 v1, v0  }
0x8e: {  	v1 =	vld @!p0 [tilespmem:$0x6380]  }
0x8f: {  	v0 =	vadd.f32 @!p0 v2, v0  }
0x90: {  	v2 =	vld @!p0 [tilespmem:$0x6400]  }
0x91: {  	v0 =	vadd.f32 @!p0 v3, v0  }
0x92: {  	v3 =	vld @!p0 [tilespmem:$0x6480]  }
0x93: {  	v0 =	vadd.f32 @!p0 v1, v0  }
0x94: {  	v1 =	vld @!p0 [tilespmem:$0x6500]  }
0x95: {  	v0 =	vadd.f32 @!p0 v2, v0  }
0x96: {  	v2 =	vld @!p0 [tilespmem:$0x6580]  }
0x97: {  	v0 =	vadd.f32 @!p0 v3, v0  }
0x98: {  	v3 =	vld @!p0 [tilespmem:$0x6600]  }
0x99: {  	v0 =	vadd.f32 @!p0 v1, v0  }
0x9a: {  	v1 =	vld @!p0 [tilespmem:$0x6680]  }
0x9b: {  	v0 =	vadd.f32 @!p0 v2, v0  }
0x9c: {  	v2 =	vld @!p0 [tilespmem:$0x6700]  }
0x9d: {  	v0 =	vadd.f32 @!p0 v3, v0  }
0x9e: {  	v3 =	vld @!p0 [tilespmem:$0x6780]  }
0x9f: {  	v0 =	vadd.f32 @!p0 v1, v0  }
0xa0: {  	v1 =	vld @!p0 [tilespmem:$0x6800]  }
0xa1: {  	v0 =	vadd.f32 @!p0 v2, v0  }
0xa2: {  	v2 =	vld @!p0 [tilespmem:$0x6880]  }
0xa3: {  	v0 =	vadd.f32 @!p0 v3, v0  }
0xa4: {  	v3 =	vld @!p0 [tilespmem:$0x6900]  }
0xa5: {  	v0 =	vadd.f32 @!p0 v1, v0;
	_ =	sdelay $0x1  }
0xa6: {  	v0 =	vadd.f32 @!p0 v2, v0;
	_ =	sdelay $0x1  }
0xa7: {  	v0 =	vadd.f32 @!p0 v3, v0;
	_ =	sdelay $0x1  }
0xa8: {  	v0 =	vmul.f32 @!p0 $-9.765625000e-04, v0;
	_ =	sdelay $0x1  }
0xa9: {  	(xrf2) =	vadd.scan.msk.f32 @!p0 $0xffff, v0;
	_ =	sdelay $0x9  }
0xaa: {  	v0, _, _ =	vpop @!p0 (xrf2)  }
0xab: {  	s4 =	simm.s32 @!p0 $0x6100;
	[tilespmem:$0x6100] =	vst @!p0 v0  }
0xac: {  	[hbm4b:s1+s2] =	stream.linear.scatter @!p0 [tilespmem:s4], [sflag:$0x3], $0x80, $0x38;
	[tilespmem:$0x6980] =	vst v63  }
0xad: {  	_ =	swait.ge @!p0 [sflag:s3], $0x80  }
0xae: {  	[sflag:s3] =	ssyncset.done @!p0 $0x0  }
0xaf: {  	[sflag:s3] =	ssyncadd.s32 @!p0 $0xFFFFFF80  }
0xb0: {  	_ =	sfence.sel @!p0 $0x180000  }
0xb1: {  	[bflag:$0x0] =	sbarrier.arrive @!p0 $0xFFFF  }
0xb2: {  	_ =	strace @!p0 $0x90000047  }
0xb3: {  	s0 =	sadd.s32 @!p0 $0x100000, s0;
	[bflag:$0x2] =	sbarrier.arrive @!p0 $0xFFFF  }
0xb4: {  	[sflag:s0] =	ssyncadd.tile.s32 @!p0 $0x1;
	_ =	shalt  }
.Lfunc_end2:
_tile_overlayer_lowered:
.L_overlay_start_2:
0xb5: {  	(tag) =	ssettag $0x2  }
0xb6: {  	s0 =	rddreg [dreg:$0x0];
	s2 =	stileid.u32  }
0xb7: {  	s1 =	rddreg [dreg:$0x1];
	p0 =	sne.s32 s2, $0x0  }
0xb8: {  	s3 =	rddreg [dreg:$0x2];
	[bflag:$0x3] =	sbarrier.arrive $0xFFFF;
	s2 =	simm.s32 @!p0 $0x1C03  }
0xb9: {  	[timem:s3], [sflag:s2] =	dma.local @!p0 [hbm:s0], s1  }
0xba: {  	s0 =	simm.s32 @!p0 $0x3  }
0xbb: {  	_ =	swait.ge @!p0 [sflag:s0], s1  }
0xbc: {  	s1 =	ssub.s32 @!p0 $0x0, s1;
	[sflag:s0] =	ssyncset.done @!p0 $0x0  }
0xbd: {  	[sflag:s0] =	ssyncadd.s32 @!p0 s1  }
0xbe: {  	[bflag:$0x3] =	sbarrier.arrive $0xFFFF  }
0xbf: {  	_ =	shalt  }

</sc_bundles>
